<compile_context>
chip_gen: v7x
topology: tpu7x:2x2x1
jax: 0.10.2.dev20260603
libtpu: 0.0.44.dev20260713+nightly
codegen_flags: <defaults>
</compile_context>

<pallas_src>
import numpy as np
import jax
import jax.numpy as jnp
from jax.experimental import pallas as pl
from jax.experimental.pallas import tpu as pltpu

N = 16384
T = 1024
TB = 128
NB = 4096
THRESHOLD = 0.1
TAU = 1e-8
FIX_CAP = 64

_NN = N // NB
_INV_2PI = np.float32(0.5 / np.pi)
_TWO_OVER_PI = np.float32(2.0 / np.pi)


def _sgn(x):
    b = jax.lax.bitcast_convert_type(x, jnp.uint32)
    s = (b & jnp.uint32(0x80000000)) | jnp.uint32(0x3F800000)
    return jax.lax.bitcast_convert_type(s, jnp.float32)


def _pair_terms(r0, r1, i0, i1):
    p = i0 * i1
    cross = r0 * i1 - i0 * r1
    ab = _sgn(p)
    c = _sgn(cross)
    w = c - ab * c
    g = jnp.minimum(np.float32(TAU) - jnp.abs(cross), -p)
    return w, g


def _vortex_block(real_ref, imag_ref, mean_ref, wind_ref, amb_ref,
                  carry_r, carry_i):
    j = pl.program_id(1)
    r = real_ref[...]
    i = imag_ref[...]

    mag_s = jnp.sum(jnp.sqrt(r * r + i * i), axis=0) * np.float32(1.0 / N)
    w_el, g_el = _pair_terms(r[:-1, :], r[1:, :], i[:-1, :], i[1:, :])
    ws = jnp.sum(w_el, axis=0)
    g = jnp.max(g_el, axis=0)

    @pl.when(j == 0)
    def _init():
        theta_first = jnp.arctan2(i[0, :], r[0, :])
        mean_ref[...] = mag_s[None, :]
        wind_ref[...] = (ws + _sgn(i[0, :]) - theta_first * _TWO_OVER_PI)[None, :]
        amb_ref[...] = g[None, :]

    @pl.when(j > 0)
    def _accum():
        wb, gb = _pair_terms(carry_r[0, :], r[0, :], carry_i[0, :], i[0, :])
        mean_ref[...] += mag_s[None, :]
        wind_ref[...] += (ws + wb)[None, :]
        amb_ref[...] = jnp.maximum(amb_ref[...], jnp.maximum(g, gb)[None, :])

    @pl.when(j == _NN - 1)
    def _finish():
        theta_last = jnp.arctan2(i[-1, :], r[-1, :])
        acc = wind_ref[0, :] - _sgn(i[-1, :]) + theta_last * _TWO_OVER_PI
        wind_ref[...] = (acc * np.float32(0.25))[None, :]

    carry_r[0, :] = r[-1, :]
    carry_i[0, :] = i[-1, :]


@jax.jit
def kernel(field_real, field_imag):
    mean_mag, winding, g = pl.pallas_call(
        _vortex_block,
        grid=(T // TB, _NN),
        in_specs=[
            pl.BlockSpec((NB, TB), lambda t, j: (j, t)),
            pl.BlockSpec((NB, TB), lambda t, j: (j, t)),
        ],
        out_specs=[
            pl.BlockSpec((1, TB), lambda t, j: (0, t)),
            pl.BlockSpec((1, TB), lambda t, j: (0, t)),
            pl.BlockSpec((1, TB), lambda t, j: (0, t)),
        ],
        out_shape=[
            jax.ShapeDtypeStruct((1, T), jnp.float32),
            jax.ShapeDtypeStruct((1, T), jnp.float32),
            jax.ShapeDtypeStruct((1, T), jnp.float32),
        ],
        scratch_shapes=[
            pltpu.VMEM((8, TB), jnp.float32),
            pltpu.VMEM((8, TB), jnp.float32),
        ],
    )(field_real, field_imag)
    mean_mag = mean_mag.reshape(T)
    winding = winding.reshape(T)
    g = g.reshape(T)

    flag = (g > 0.0) | (jnp.abs(jnp.abs(winding) - 0.5) < 0.01)
    (idx,) = jnp.nonzero(flag, size=FIX_CAP, fill_value=0)
    phases = jnp.arctan2(field_imag[:, idx], field_real[:, idx])
    pd = jnp.diff(phases, axis=0)
    pd = jnp.where(pd > np.pi, pd - 2.0 * np.pi, pd)
    pd = jnp.where(pd < -np.pi, pd + 2.0 * np.pi, pd)
    w_fix = jnp.sum(pd, axis=0) / (2.0 * np.pi)
    winding = winding.at[idx].set(w_fix)

    is_v = (mean_mag < THRESHOLD) & (jnp.abs(winding) > 0.5)
    return (is_v.astype(jnp.int32), jnp.where(is_v, winding, 0.0))

# --- scband reference (transcript-rebuilt; emitter-appended) ---
"""Pipeline reference for scband-temporal-vortex-controller-18691697672684 (READ-ONLY COPY).

The authoritative reference and input builder live on the scoring server;
editing this copy changes nothing except your own understanding.
"""

import jax, jax.numpy as jnp
import numpy as np

NUM_NODES = 16384
NUM_TIME_STEPS = 1024
THRESHOLD = 0.1

def setup_inputs(seed: int = 0) -> dict:
    key = jax.random.key(seed)
    k1, k2 = jax.random.split(key)
    # scale by 0.05 so the mean magnitude per time slice (~0.0125 * sqrt(pi/2) scale)
    # falls below the vortex-core threshold of 0.1, making detection nontrivial
    field_real = jax.random.normal(k1, (NUM_NODES, NUM_TIME_STEPS), dtype=jnp.float32) * 0.05
    field_imag = jax.random.normal(k2, (NUM_NODES, NUM_TIME_STEPS), dtype=jnp.float32) * 0.05
    return {"field_real": field_real, "field_imag": field_imag}

def reference(field_real, field_imag):
    # Faithful (static-shape) translation of detect_temporal_vortices:
    # for each time slice t, compute mean |psi(:, t)|; where it is below
    # threshold, compute the spatial phase winding number; a temporal vortex
    # exists where |winding| > 0.5. Python-loop over t in the torch original is
    # vectorized over the time axis; the dynamic Python list of vortex time
    # indices is returned as a fixed-shape boolean mask instead.
    magnitude = jnp.sqrt(field_real ** 2 + field_imag ** 2)  # |psi|, (N, T)
    mean_magnitude = jnp.mean(magnitude, axis=0)             # (T,)
    phases = jnp.arctan2(field_imag, field_real)             # torch.angle, (N, T)
    phase_diff = jnp.diff(phases, axis=0)                    # torch.diff along theta
    phase_diff = jnp.where(phase_diff > np.pi, phase_diff - 2.0 * np.pi, phase_diff)
    phase_diff = jnp.where(phase_diff < -np.pi, phase_diff + 2.0 * np.pi, phase_diff)
    winding = jnp.sum(phase_diff, axis=0) / (2.0 * np.pi)    # (T,)
    is_vortex = (mean_magnitude < THRESHOLD) & (jnp.abs(winding) > 0.5)
    winding_numbers = jnp.where(is_vortex, winding, 0.0)
    return (is_vortex.astype(jnp.int32), winding_numbers)

if False:  # reference __main__ guard neutralized (emitter)
    inp = setup_inputs()
    out = reference(**inp)
    print(out[0].shape, out[1].shape, int(jnp.sum(out[0])))

if __name__ == "__main__":
    import jax
    _d = setup_inputs()
    print(jax.jit(kernel)(*tuple(_d.values())))

</pallas_src>

<mosaic_0001>
module attributes {stable_mosaic.version = 14 : i64} {
  func.func @_vortex_block(%arg0: i32, %arg1: i32, %arg2: memref<4096x128xf32, #tpu.memory_space<vmem>>, %arg3: memref<4096x128xf32, #tpu.memory_space<vmem>>, %arg4: memref<1x128xf32, #tpu.memory_space<vmem>>, %arg5: memref<1x128xf32, #tpu.memory_space<vmem>>, %arg6: memref<1x128xf32, #tpu.memory_space<vmem>>, %arg7: memref<8x128xf32, #tpu.memory_space<vmem>>, %arg8: memref<8x128xf32, #tpu.memory_space<vmem>>) attributes {dimension_semantics = [#tpu.dimension_semantics<arbitrary>, #tpu.dimension_semantics<arbitrary>], iteration_bounds = array<i64: 8, 4>, scalar_prefetch = 0 : i64, scratch_operands = 2 : i64, tpu.core_type = #tpu.core_type<tc>, window_params = [{transform_indices = @transform_0, window_bounds = array<i64: 4096, 128>}, {transform_indices = @transform_1, window_bounds = array<i64: 4096, 128>}, {transform_indices = @transform_2, window_bounds = array<i64: 1, 128>}, {transform_indices = @transform_3, window_bounds = array<i64: 1, 128>}, {transform_indices = @transform_4, window_bounds = array<i64: 1, 128>}]} {
    %get3A = arith.constant 0 : index
    %get3A_0 = arith.constant 0 : index
    %get3A_1 = vector.load %arg2[%get3A, %get3A_0] : memref<4096x128xf32, #tpu.memory_space<vmem>>, vector<4096x128xf32>
    %get3A_2 = arith.constant 0 : index
    %get3A_3 = arith.constant 0 : index
    %get3A_4 = vector.load %arg3[%get3A_2, %get3A_3] : memref<4096x128xf32, #tpu.memory_space<vmem>>, vector<4096x128xf32>
    %mul3A = arith.mulf %get3A_1, %get3A_1 : vector<4096x128xf32>
    %mul3A_5 = arith.mulf %get3A_4, %get3A_4 : vector<4096x128xf32>
    %add3A = arith.addf %mul3A, %mul3A_5 : vector<4096x128xf32>
    %sqrt3A = math.sqrt %add3A : vector<4096x128xf32>
    %reduce_sum3A = arith.constant dense<0.000000e+00> : vector<128xf32>
    %reduce_sum3A_6 = vector.multi_reduction <add>, %sqrt3A, %reduce_sum3A [0] : vector<4096x128xf32> to vector<128xf32>
    %mul3A_7 = arith.constant 6.10351563E-5 : f32
    %mul3A_8 = vector.broadcast %mul3A_7 : f32 to vector<128xf32>
    %mul3A_9 = arith.mulf %reduce_sum3A_6, %mul3A_8 : vector<128xf32>
    %slice3A = vector.extract_strided_slice %get3A_1 {offsets = [0, 0], sizes = [4095, 128], strides = [1, 1]} : vector<4096x128xf32> to vector<4095x128xf32>
    %slice3A_10 = vector.extract_strided_slice %get3A_1 {offsets = [1, 0], sizes = [4095, 128], strides = [1, 1]} : vector<4096x128xf32> to vector<4095x128xf32>
    %slice3A_11 = vector.extract_strided_slice %get3A_4 {offsets = [0, 0], sizes = [4095, 128], strides = [1, 1]} : vector<4096x128xf32> to vector<4095x128xf32>
    %slice3A_12 = vector.extract_strided_slice %get3A_4 {offsets = [1, 0], sizes = [4095, 128], strides = [1, 1]} : vector<4096x128xf32> to vector<4095x128xf32>
    %mul3A_13 = arith.mulf %slice3A_11, %slice3A_12 : vector<4095x128xf32>
    %mul3A_14 = arith.mulf %slice3A, %slice3A_12 : vector<4095x128xf32>
    %mul3A_15 = arith.mulf %slice3A_11, %slice3A_10 : vector<4095x128xf32>
    %sub3A = arith.subf %mul3A_14, %mul3A_15 : vector<4095x128xf32>
    %bitcast_convert_type3A = tpu.bitcast %mul3A_13 : vector<4095x128xf32> -> vector<4095x128xi32>
    %and3A = arith.constant -2147483648 : i32
    %and3A_16 = vector.broadcast %and3A : i32 to vector<4095x128xi32>
    %and3A_17 = arith.andi %bitcast_convert_type3A, %and3A_16 : vector<4095x128xi32>
    %or3A = arith.constant 1065353216 : i32
    %or3A_18 = vector.broadcast %or3A : i32 to vector<4095x128xi32>
    %or3A_19 = arith.ori %and3A_17, %or3A_18 : vector<4095x128xi32>
    %bitcast_convert_type3A_20 = tpu.bitcast %or3A_19 : vector<4095x128xi32> -> vector<4095x128xf32>
    %bitcast_convert_type3A_21 = tpu.bitcast %sub3A : vector<4095x128xf32> -> vector<4095x128xi32>
    %and3A_22 = arith.constant -2147483648 : i32
    %and3A_23 = vector.broadcast %and3A_22 : i32 to vector<4095x128xi32>
    %and3A_24 = arith.andi %bitcast_convert_type3A_21, %and3A_23 : vector<4095x128xi32>
    %or3A_25 = arith.constant 1065353216 : i32
    %or3A_26 = vector.broadcast %or3A_25 : i32 to vector<4095x128xi32>
    %or3A_27 = arith.ori %and3A_24, %or3A_26 : vector<4095x128xi32>
    %bitcast_convert_type3A_28 = tpu.bitcast %or3A_27 : vector<4095x128xi32> -> vector<4095x128xf32>
    %mul3A_29 = arith.mulf %bitcast_convert_type3A_20, %bitcast_convert_type3A_28 : vector<4095x128xf32>
    %sub3A_30 = arith.subf %bitcast_convert_type3A_28, %mul3A_29 : vector<4095x128xf32>
    %abs3A = math.absf %sub3A : vector<4095x128xf32>
    %sub3A_31 = arith.constant 9.99999993E-9 : f32
    %sub3A_32 = vector.broadcast %sub3A_31 : f32 to vector<4095x128xf32>
    %sub3A_33 = arith.subf %sub3A_32, %abs3A : vector<4095x128xf32>
    %neg3A = arith.constant 0.000000e+00 : f32
    %neg3A_34 = vector.broadcast %neg3A : f32 to vector<4095x128xf32>
    %neg3A_35 = arith.subf %neg3A_34, %mul3A_13 : vector<4095x128xf32>
    %min3A = arith.minimumf %sub3A_33, %neg3A_35 : vector<4095x128xf32>
    %reduce_sum3A_36 = arith.constant dense<0.000000e+00> : vector<128xf32>
    %reduce_sum3A_37 = vector.multi_reduction <add>, %sub3A_30, %reduce_sum3A_36 [0] : vector<4095x128xf32> to vector<128xf32>
    %reduce_max3A = arith.constant dense<0xFF800000> : vector<128xf32>
    %reduce_max3A_38 = vector.multi_reduction <maximumf>, %min3A, %reduce_max3A [0] : vector<4095x128xf32> to vector<128xf32>
    %eq3A = arith.constant 0 : i32
    %eq3A_39 = arith.cmpi eq, %arg1, %eq3A : i32
    %convert_element_type3A = arith.extui %eq3A_39 : i1 to i32
    %cond3A = arith.constant 0 : i32
    %cond3A_40 = arith.cmpi ne, %convert_element_type3A, %cond3A : i32
    scf.if %cond3A_40 {
      %slice3A_62 = vector.extract_strided_slice %get3A_4 {offsets = [0, 0], sizes = [1, 128], strides = [1, 1]} : vector<4096x128xf32> to vector<1x128xf32>
      %squeeze3A_63 = vector.shape_cast %slice3A_62 : vector<1x128xf32> to vector<128xf32>
      %slice3A_64 = vector.extract_strided_slice %get3A_1 {offsets = [0, 0], sizes = [1, 128], strides = [1, 1]} : vector<4096x128xf32> to vector<1x128xf32>
      %squeeze3A_65 = vector.shape_cast %slice3A_64 : vector<1x128xf32> to vector<128xf32>
      %atan23A = math.atan2 %squeeze3A_63, %squeeze3A_65 : vector<128xf32>
      %broadcast_in_dim3A = vector.shape_cast %mul3A_9 : vector<128xf32> to vector<1x128xf32>
      %swap3A_66 = arith.constant 0 : index
      %swap3A_67 = arith.constant 0 : index
      %swap3A_68 = vector.load %arg4[%swap3A_66, %swap3A_67] : memref<1x128xf32, #tpu.memory_space<vmem>>, vector<1x128xf32>
      tpu.vector_store %arg4[%swap3A_66, %swap3A_67], %broadcast_in_dim3A {strides = array<i32>} : memref<1x128xf32, #tpu.memory_space<vmem>>, vector<1x128xf32>,
      %slice3A_69 = vector.extract_strided_slice %get3A_4 {offsets = [0, 0], sizes = [1, 128], strides = [1, 1]} : vector<4096x128xf32> to vector<1x128xf32>
      %squeeze3A_70 = vector.shape_cast %slice3A_69 : vector<1x128xf32> to vector<128xf32>
      %bitcast_convert_type3A_71 = tpu.bitcast %squeeze3A_70 : vector<128xf32> -> vector<128xi32>
      %and3A_72 = arith.constant -2147483648 : i32
      %and3A_73 = vector.broadcast %and3A_72 : i32 to vector<128xi32>
      %and3A_74 = arith.andi %bitcast_convert_type3A_71, %and3A_73 : vector<128xi32>
      %or3A_75 = arith.constant 1065353216 : i32
      %or3A_76 = vector.broadcast %or3A_75 : i32 to vector<128xi32>
      %or3A_77 = arith.ori %and3A_74, %or3A_76 : vector<128xi32>
      %bitcast_convert_type3A_78 = tpu.bitcast %or3A_77 : vector<128xi32> -> vector<128xf32>
      %add3A_79 = arith.addf %reduce_sum3A_37, %bitcast_convert_type3A_78 : vector<128xf32>
      %mul3A_80 = arith.constant 0.636619746 : f32
      %mul3A_81 = vector.broadcast %mul3A_80 : f32 to vector<128xf32>
      %mul3A_82 = arith.mulf %atan23A, %mul3A_81 : vector<128xf32>
      %sub3A_83 = arith.subf %add3A_79, %mul3A_82 : vector<128xf32>
      %broadcast_in_dim3A_84 = vector.shape_cast %sub3A_83 : vector<128xf32> to vector<1x128xf32>
      %swap3A_85 = arith.constant 0 : index
      %swap3A_86 = arith.constant 0 : index
      %swap3A_87 = vector.load %arg5[%swap3A_85, %swap3A_86] : memref<1x128xf32, #tpu.memory_space<vmem>>, vector<1x128xf32>
      tpu.vector_store %arg5[%swap3A_85, %swap3A_86], %broadcast_in_dim3A_84 {strides = array<i32>} : memref<1x128xf32, #tpu.memory_space<vmem>>, vector<1x128xf32>,
      %broadcast_in_dim3A_88 = vector.shape_cast %reduce_max3A_38 : vector<128xf32> to vector<1x128xf32>
      %swap3A_89 = arith.constant 0 : index
      %swap3A_90 = arith.constant 0 : index
      %swap3A_91 = vector.load %arg6[%swap3A_89, %swap3A_90] : memref<1x128xf32, #tpu.memory_space<vmem>>, vector<1x128xf32>
      tpu.vector_store %arg6[%swap3A_89, %swap3A_90], %broadcast_in_dim3A_88 {strides = array<i32>} : memref<1x128xf32, #tpu.memory_space<vmem>>, vector<1x128xf32>,
    } else {
    }
    %gt3A = arith.constant 0 : i32
    %gt3A_41 = arith.cmpi sgt, %arg1, %gt3A : i32
    %convert_element_type3A_42 = arith.extui %gt3A_41 : i1 to i32
    %cond3A_43 = arith.constant 0 : i32
    %cond3A_44 = arith.cmpi ne, %convert_element_type3A_42, %cond3A_43 : i32
    scf.if %cond3A_44 {
      %get3A_62 = arith.constant 0 : index
      %get3A_63 = arith.constant 0 : index
      %get3A_64 = vector.load %arg7[%get3A_62, %get3A_63] : memref<8x128xf32, #tpu.memory_space<vmem>>, vector<1x128xf32>
      %get3A_65 = vector.shape_cast %get3A_64 : vector<1x128xf32> to vector<128xf32>
      %slice3A_66 = vector.extract_strided_slice %get3A_1 {offsets = [0, 0], sizes = [1, 128], strides = [1, 1]} : vector<4096x128xf32> to vector<1x128xf32>
      %squeeze3A_67 = vector.shape_cast %slice3A_66 : vector<1x128xf32> to vector<128xf32>
      %get3A_68 = arith.constant 0 : index
      %get3A_69 = arith.constant 0 : index
      %get3A_70 = vector.load %arg8[%get3A_68, %get3A_69] : memref<8x128xf32, #tpu.memory_space<vmem>>, vector<1x128xf32>
      %get3A_71 = vector.shape_cast %get3A_70 : vector<1x128xf32> to vector<128xf32>
      %slice3A_72 = vector.extract_strided_slice %get3A_4 {offsets = [0, 0], sizes = [1, 128], strides = [1, 1]} : vector<4096x128xf32> to vector<1x128xf32>
      %squeeze3A_73 = vector.shape_cast %slice3A_72 : vector<1x128xf32> to vector<128xf32>
      %mul3A_74 = arith.mulf %get3A_71, %squeeze3A_73 : vector<128xf32>
      %mul3A_75 = arith.mulf %get3A_65, %squeeze3A_73 : vector<128xf32>
      %mul3A_76 = arith.mulf %get3A_71, %squeeze3A_67 : vector<128xf32>
      %sub3A_77 = arith.subf %mul3A_75, %mul3A_76 : vector<128xf32>
      %bitcast_convert_type3A_78 = tpu.bitcast %mul3A_74 : vector<128xf32> -> vector<128xi32>
      %and3A_79 = arith.constant -2147483648 : i32
      %and3A_80 = vector.broadcast %and3A_79 : i32 to vector<128xi32>
      %and3A_81 = arith.andi %bitcast_convert_type3A_78, %and3A_80 : vector<128xi32>
      %or3A_82 = arith.constant 1065353216 : i32
      %or3A_83 = vector.broadcast %or3A_82 : i32 to vector<128xi32>
      %or3A_84 = arith.ori %and3A_81, %or3A_83 : vector<128xi32>
      %bitcast_convert_type3A_85 = tpu.bitcast %or3A_84 : vector<128xi32> -> vector<128xf32>
      %bitcast_convert_type3A_86 = tpu.bitcast %sub3A_77 : vector<128xf32> -> vector<128xi32>
      %and3A_87 = arith.constant -2147483648 : i32
      %and3A_88 = vector.broadcast %and3A_87 : i32 to vector<128xi32>
      %and3A_89 = arith.andi %bitcast_convert_type3A_86, %and3A_88 : vector<128xi32>
      %or3A_90 = arith.constant 1065353216 : i32
      %or3A_91 = vector.broadcast %or3A_90 : i32 to vector<128xi32>
      %or3A_92 = arith.ori %and3A_89, %or3A_91 : vector<128xi32>
      %bitcast_convert_type3A_93 = tpu.bitcast %or3A_92 : vector<128xi32> -> vector<128xf32>
      %mul3A_94 = arith.mulf %bitcast_convert_type3A_85, %bitcast_convert_type3A_93 : vector<128xf32>
      %sub3A_95 = arith.subf %bitcast_convert_type3A_93, %mul3A_94 : vector<128xf32>
      %abs3A_96 = math.absf %sub3A_77 : vector<128xf32>
      %sub3A_97 = arith.constant 9.99999993E-9 : f32
      %sub3A_98 = vector.broadcast %sub3A_97 : f32 to vector<128xf32>
      %sub3A_99 = arith.subf %sub3A_98, %abs3A_96 : vector<128xf32>
      %neg3A_100 = arith.constant 0.000000e+00 : f32
      %neg3A_101 = vector.broadcast %neg3A_100 : f32 to vector<128xf32>
      %neg3A_102 = arith.subf %neg3A_101, %mul3A_74 : vector<128xf32>
      %min3A_103 = arith.minimumf %sub3A_99, %neg3A_102 : vector<128xf32>
      %get3A_104 = arith.constant 0 : index
      %get3A_105 = arith.constant 0 : index
      %get3A_106 = vector.load %arg4[%get3A_104, %get3A_105] : memref<1x128xf32, #tpu.memory_space<vmem>>, vector<1x128xf32>
      %broadcast_in_dim3A = vector.shape_cast %mul3A_9 : vector<128xf32> to vector<1x128xf32>
      %add3A_107 = arith.addf %get3A_106, %broadcast_in_dim3A : vector<1x128xf32>
      %swap3A_108 = arith.constant 0 : index
      %swap3A_109 = arith.constant 0 : index
      %swap3A_110 = vector.load %arg4[%swap3A_108, %swap3A_109] : memref<1x128xf32, #tpu.memory_space<vmem>>, vector<1x128xf32>
      tpu.vector_store %arg4[%swap3A_108, %swap3A_109], %add3A_107 {strides = array<i32>} : memref<1x128xf32, #tpu.memory_space<vmem>>, vector<1x128xf32>,
      %get3A_111 = arith.constant 0 : index
      %get3A_112 = arith.constant 0 : index
      %get3A_113 = vector.load %arg5[%get3A_111, %get3A_112] : memref<1x128xf32, #tpu.memory_space<vmem>>, vector<1x128xf32>
      %add3A_114 = arith.addf %reduce_sum3A_37, %sub3A_95 : vector<128xf32>
      %broadcast_in_dim3A_115 = vector.shape_cast %add3A_114 : vector<128xf32> to vector<1x128xf32>
      %add3A_116 = arith.addf %get3A_113, %broadcast_in_dim3A_115 : vector<1x128xf32>
      %swap3A_117 = arith.constant 0 : index
      %swap3A_118 = arith.constant 0 : index
      %swap3A_119 = vector.load %arg5[%swap3A_117, %swap3A_118] : memref<1x128xf32, #tpu.memory_space<vmem>>, vector<1x128xf32>
      tpu.vector_store %arg5[%swap3A_117, %swap3A_118], %add3A_116 {strides = array<i32>} : memref<1x128xf32, #tpu.memory_space<vmem>>, vector<1x128xf32>,
      %get3A_120 = arith.constant 0 : index
      %get3A_121 = arith.constant 0 : index
      %get3A_122 = vector.load %arg6[%get3A_120, %get3A_121] : memref<1x128xf32, #tpu.memory_space<vmem>>, vector<1x128xf32>
      %max3A = arith.maximumf %reduce_max3A_38, %min3A_103 : vector<128xf32>
      %broadcast_in_dim3A_123 = vector.shape_cast %max3A : vector<128xf32> to vector<1x128xf32>
      %max3A_124 = arith.maximumf %get3A_122, %broadcast_in_dim3A_123 : vector<1x128xf32>
      %swap3A_125 = arith.constant 0 : index
      %swap3A_126 = arith.constant 0 : index
      %swap3A_127 = vector.load %arg6[%swap3A_125, %swap3A_126] : memref<1x128xf32, #tpu.memory_space<vmem>>, vector<1x128xf32>
      tpu.vector_store %arg6[%swap3A_125, %swap3A_126], %max3A_124 {strides = array<i32>} : memref<1x128xf32, #tpu.memory_space<vmem>>, vector<1x128xf32>,
    } else {
    }
    %eq3A_45 = arith.constant 3 : i32
    %eq3A_46 = arith.cmpi eq, %arg1, %eq3A_45 : i32
    %convert_element_type3A_47 = arith.extui %eq3A_46 : i1 to i32
    %cond3A_48 = arith.constant 0 : i32
    %cond3A_49 = arith.cmpi ne, %convert_element_type3A_47, %cond3A_48 : i32
    scf.if %cond3A_49 {
      %slice3A_62 = vector.extract_strided_slice %get3A_4 {offsets = [4095, 0], sizes = [1, 128], strides = [1, 1]} : vector<4096x128xf32> to vector<1x128xf32>
      %squeeze3A_63 = vector.shape_cast %slice3A_62 : vector<1x128xf32> to vector<128xf32>
      %slice3A_64 = vector.extract_strided_slice %get3A_1 {offsets = [4095, 0], sizes = [1, 128], strides = [1, 1]} : vector<4096x128xf32> to vector<1x128xf32>
      %squeeze3A_65 = vector.shape_cast %slice3A_64 : vector<1x128xf32> to vector<128xf32>
      %atan23A = math.atan2 %squeeze3A_63, %squeeze3A_65 : vector<128xf32>
      %get3A_66 = arith.constant 0 : index
      %get3A_67 = arith.constant 0 : index
      %get3A_68 = vector.load %arg5[%get3A_66, %get3A_67] : memref<1x128xf32, #tpu.memory_space<vmem>>, vector<1x128xf32>
      %get3A_69 = vector.shape_cast %get3A_68 : vector<1x128xf32> to vector<128xf32>
      %slice3A_70 = vector.extract_strided_slice %get3A_4 {offsets = [4095, 0], sizes = [1, 128], strides = [1, 1]} : vector<4096x128xf32> to vector<1x128xf32>
      %squeeze3A_71 = vector.shape_cast %slice3A_70 : vector<1x128xf32> to vector<128xf32>
      %bitcast_convert_type3A_72 = tpu.bitcast %squeeze3A_71 : vector<128xf32> -> vector<128xi32>
      %and3A_73 = arith.constant -2147483648 : i32
      %and3A_74 = vector.broadcast %and3A_73 : i32 to vector<128xi32>
      %and3A_75 = arith.andi %bitcast_convert_type3A_72, %and3A_74 : vector<128xi32>
      %or3A_76 = arith.constant 1065353216 : i32
      %or3A_77 = vector.broadcast %or3A_76 : i32 to vector<128xi32>
      %or3A_78 = arith.ori %and3A_75, %or3A_77 : vector<128xi32>
      %bitcast_convert_type3A_79 = tpu.bitcast %or3A_78 : vector<128xi32> -> vector<128xf32>
      %sub3A_80 = arith.subf %get3A_69, %bitcast_convert_type3A_79 : vector<128xf32>
      %mul3A_81 = arith.constant 0.636619746 : f32
      %mul3A_82 = vector.broadcast %mul3A_81 : f32 to vector<128xf32>
      %mul3A_83 = arith.mulf %atan23A, %mul3A_82 : vector<128xf32>
      %add3A_84 = arith.addf %sub3A_80, %mul3A_83 : vector<128xf32>
      %mul3A_85 = arith.constant 2.500000e-01 : f32
      %mul3A_86 = vector.broadcast %mul3A_85 : f32 to vector<128xf32>
      %mul3A_87 = arith.mulf %add3A_84, %mul3A_86 : vector<128xf32>
      %broadcast_in_dim3A = vector.shape_cast %mul3A_87 : vector<128xf32> to vector<1x128xf32>
      %swap3A_88 = arith.constant 0 : index
      %swap3A_89 = arith.constant 0 : index
      %swap3A_90 = vector.load %arg5[%swap3A_88, %swap3A_89] : memref<1x128xf32, #tpu.memory_space<vmem>>, vector<1x128xf32>
      tpu.vector_store %arg5[%swap3A_88, %swap3A_89], %broadcast_in_dim3A {strides = array<i32>} : memref<1x128xf32, #tpu.memory_space<vmem>>, vector<1x128xf32>,
    } else {
    }
    %slice3A_50 = vector.extract_strided_slice %get3A_1 {offsets = [4095, 0], sizes = [1, 128], strides = [1, 1]} : vector<4096x128xf32> to vector<1x128xf32>
    %squeeze3A = vector.shape_cast %slice3A_50 : vector<1x128xf32> to vector<128xf32>
    %swap3A = arith.constant 0 : index
    %swap3A_51 = arith.constant 0 : index
    %swap3A_52 = vector.load %arg7[%swap3A, %swap3A_51] : memref<8x128xf32, #tpu.memory_space<vmem>>, vector<1x128xf32>
    %swap3A_53 = vector.shape_cast %swap3A_52 : vector<1x128xf32> to vector<128xf32>
    %swap3A_54 = vector.shape_cast %squeeze3A : vector<128xf32> to vector<1x128xf32>
    tpu.vector_store %arg7[%swap3A, %swap3A_51], %swap3A_54 {strides = array<i32>} : memref<8x128xf32, #tpu.memory_space<vmem>>, vector<1x128xf32>,
    %slice3A_55 = vector.extract_strided_slice %get3A_4 {offsets = [4095, 0], sizes = [1, 128], strides = [1, 1]} : vector<4096x128xf32> to vector<1x128xf32>
    %squeeze3A_56 = vector.shape_cast %slice3A_55 : vector<1x128xf32> to vector<128xf32>
    %swap3A_57 = arith.constant 0 : index
    %swap3A_58 = arith.constant 0 : index
    %swap3A_59 = vector.load %arg8[%swap3A_57, %swap3A_58] : memref<8x128xf32, #tpu.memory_space<vmem>>, vector<1x128xf32>
    %swap3A_60 = vector.shape_cast %swap3A_59 : vector<1x128xf32> to vector<128xf32>
    %swap3A_61 = vector.shape_cast %squeeze3A_56 : vector<128xf32> to vector<1x128xf32>
    tpu.vector_store %arg8[%swap3A_57, %swap3A_58], %swap3A_61 {strides = array<i32>} : memref<8x128xf32, #tpu.memory_space<vmem>>, vector<1x128xf32>,
    return
  }
  func.func @transform_0(%arg0: i32, %arg1: i32) -> (i32, i32) {
    %c0_i32 = arith.constant 0 : i32
    return %arg1, %arg0 : i32, i32
  }
  func.func @transform_1(%arg0: i32, %arg1: i32) -> (i32, i32) {
    %c0_i32 = arith.constant 0 : i32
    return %arg1, %arg0 : i32, i32
  }
  func.func @transform_2(%arg0: i32, %arg1: i32) -> (i32, i32) {
    %c0_i32 = arith.constant 0 : i32
    %c0_i32_0 = arith.constant 0 : i32
    return %c0_i32, %arg0 : i32, i32
  }
  func.func @transform_3(%arg0: i32, %arg1: i32) -> (i32, i32) {
    %c0_i32 = arith.constant 0 : i32
    %c0_i32_0 = arith.constant 0 : i32
    return %c0_i32, %arg0 : i32, i32
  }
  func.func @transform_4(%arg0: i32, %arg1: i32) -> (i32, i32) {
    %c0_i32 = arith.constant 0 : i32
    %c0_i32_0 = arith.constant 0 : i32
    return %c0_i32, %arg0 : i32, i32
  }
}

</mosaic_0001>

<sc_bundles>
// kernel: scatter_offload_async_start
scs
__scs_entry_jumppad:
0x0: {  	(pc) =	sbr.rel $0x88, $3  }
0x1: {  	(tag) =	ssettag $0x0;
	lr =	simm.s32 $0x1  }
0x2: {  	[smem:$0x3F9F] =	sst lr;
	_ =	strace $0xD0000000  }
0x3: {  	_ = 	snop  }
0x4: {  	_ = 	snop  }
0x5: {  	_ = 	snop  }
0x6: {  	_ = 	snop  }
0x7: {  	_ = 	snop  }
__scs_overlays_trampoline_lowered:
0x8: {  	[smem:$0x3FAE] =	sst s0  }
0x9: {  	[smem:$0x3FAF] =	sst s1  }
0xa: {  	[smem:$0x3FB0] =	sst s2  }
0xb: {  	[smem:$0x3FB1] =	sst s3  }
0xc: {  	[smem:$0x3FB2] =	sst s4  }
0xd: {  	[smem:$0x3FB3] =	sst s5  }
0xe: {  	[smem:$0x3FB4] =	sst s6  }
0xf: {  	[smem:$0x3FB5] =	sst s7  }
0x10: {  	[smem:$0x3FB6] =	sst s8  }
0x11: {  	[smem:$0x3FB7] =	sst s9;
	s0 =	simm.s32 @!p0 $0x0  }
0x12: {  	s1 =	sld [smem:$0x3F9D];
	s0 =	simm.s32 @p0 $0x1  }
0x13: {  	[smem:$0x3FB8] =	sst s0;
	s0 =	simm.s32 @!p1 $0x0  }
0x14: {  	s2 =	sld [smem:$0x3F9C];
	s0 =	simm.s32 @p1 $0x1  }
0x15: {  	[smem:$0x3FB9] =	sst s0;
	s0 =	simm.s32 @!p2 $0x0  }
0x16: {  	s3 =	sld [smem:$0x3FDB];
	s0 =	simm.s32 @p2 $0x1  }
0x17: {  	s4 =	simm.s32 $0x1BF5;
	[smem:$0x3FBB] =	sst s0  }
0x18: {  	s0 =	sld [smem:$0x3F9E];
	_ =	swait.ge [sflag:s4], $0x0  }
0x19: {  	s7 =	sld [smem:$0x3F9F]  }
0x1a: {  	s8 =	sadd.s32 $0xFFFFE003, lr  }
0x1b: {  	s9 =	sadd.s32 $0xFFFFFEF7, lr;
	s5 =	simm.s32 $0xFFFFFFFF;
	p2 =	slt.u32 s8, $0xFFFFF086  }
0x1c: {  	p1 =	slt.u32 s9, $0xF7A;
	s5 =	simm.s32 @!p2 $0x0  }
0x1d: {  	s5 =	simm.s32 @p1 $0x1;
	p0 =	seq.s32 s7, s2  }
0x1e: {  	s7 =	smul.u32 @!p0 $0xF7A, s2;
	p2 =	seq.s32 @!p0 s5, $0x0  }
0x1f: {  	s9 =	smul.u32 $0xF7A, s1;
	s8 =	simm.s32 @!p0 $0x1BF5;
	p2 =	por !p2, p0  }
0x20: {  	[sflag:s8] =	ssyncset.s32 @!p0 $0xFFFFF086;
	s6 =	sadd.s32 @!p0 s3, s7;
	s7 =	simm.s32 @!p0 $0x108  }
0x21: {  	s3 =	sadd.s32 s3, s9;
	s6 =	sadd.s32 @!p0 $0x88, s6;
	s7 =	simm.s32 @p2 $0x1082  }
0x22: {  	[simem:s7], [sflag:s8] =	dma.local @!p0 [hbm:s6], $0xF7A  }
0x23: {  	s9 =	sor.u32 $0xD0000000, s2;
	s6 =	simm.s32 $0x108;
	_ =	swait.ge @!p0 [sflag:s8], $0x0  }
0x24: {  	s3 =	sadd.s32 $0x88, s3;
	s6 =	simm.s32 @!p1 $0x1082;
	[sflag:s4] =	ssyncset.s32 $0xFFFFF086  }
0x25: {  	[simem:s6], [sflag:s4] =	dma.local [hbm:s3], $0xF7A  }
0x26: {  	[smem:$0x3F9F] =	sst s1;
	(tag) =	ssettag s2;
	_ =	strace s9  }
0x27: {  	s1 =	sld [smem:$0x3FAF]  }
0x28: {  	s2 =	sld [smem:$0x3FB0]  }
0x29: {  	s4 =	sld [smem:$0x3FB2]  }
0x2a: {  	p0 =	seq.s32 s5, $0x0;
	s5 =	sld [smem:$0x3FB3]  }
0x2b: {  	s6 =	sld [smem:$0x3FB4]  }
0x2c: {  	s7 =	sld [smem:$0x3FB5]  }
0x2d: {  	s3 =	simm.s32 $0x108;
	s8 =	sld [smem:$0x3FB6]  }
0x2e: {  	s3 =	simm.s32 @!p0 $0x1082;
	s9 =	sld [smem:$0x3FB7]  }
0x2f: {  	lr =	sadd.s32 s0, s3;
	s0 =	sld [smem:$0x3FAE]  }
0x30: {  	s3 =	sld [smem:$0x3FB1]  }
0x31: {  	[smem:$0x3FBA] =	sst s10  }
0x32: {  	s10 =	sld [smem:$0x3FB8];
	_ =	sdelay $0x3  }
0x33: {  	p0 =	seq.s32 s10, $0x1;
	s10 =	sld [smem:$0x3FBA];
	_ =	sdelay $0x3  }
0x34: {  	[smem:$0x3FBA] =	sst s10  }
0x35: {  	s10 =	sld [smem:$0x3FB9];
	_ =	sdelay $0x3  }
0x36: {  	p1 =	seq.s32 s10, $0x1;
	s10 =	sld [smem:$0x3FBA];
	_ =	sdelay $0x3  }
0x37: {  	[smem:$0x3FBA] =	sst s10  }
0x38: {  	s10 =	sld [smem:$0x3FBB]  }
0x39: {  	_ = 	snop;
	(pc) =	sbr.ind lr, $3  }
0x3a: {  	_ = 	snop  }
0x3b: {  	_ = 	snop  }
0x3c: {  	p2 =	seq.s32 s10, $0x1;
	s10 =	sld [smem:$0x3FBA]  }
0x3d: {  	_ =	shalt  }
0x3e: {  	_ =	shalt  }
0x3f: {  	_ =	shalt  }
0x40: {  	_ =	shalt  }
0x41: {  	_ =	shalt  }
0x42: {  	_ =	shalt  }
0x43: {  	_ =	shalt  }
0x44: {  	_ =	shalt  }
0x45: {  	_ =	shalt  }
0x46: {  	_ =	shalt  }
0x47: {  	_ =	shalt  }
0x48: {  	_ =	shalt  }
0x49: {  	_ =	shalt  }
0x4a: {  	_ =	shalt  }
0x4b: {  	_ =	shalt  }
0x4c: {  	_ =	shalt  }
0x4d: {  	_ =	shalt  }
0x4e: {  	_ =	shalt  }
0x4f: {  	_ =	shalt  }
0x50: {  	_ =	shalt  }
0x51: {  	_ =	shalt  }
0x52: {  	_ =	shalt  }
0x53: {  	_ =	shalt  }
0x54: {  	_ =	shalt  }
0x55: {  	_ =	shalt  }
0x56: {  	_ =	shalt  }
0x57: {  	_ =	shalt  }
0x58: {  	_ =	shalt  }
0x59: {  	_ =	shalt  }
0x5a: {  	_ =	shalt  }
0x5b: {  	_ =	shalt  }
0x5c: {  	_ =	shalt  }
0x5d: {  	_ =	shalt  }
0x5e: {  	_ =	shalt  }
0x5f: {  	_ =	shalt  }
0x60: {  	_ =	shalt  }
0x61: {  	_ =	shalt  }
0x62: {  	_ =	shalt  }
0x63: {  	_ =	shalt  }
0x64: {  	_ =	shalt  }
0x65: {  	_ =	shalt  }
0x66: {  	_ =	shalt  }
0x67: {  	_ =	shalt  }
0x68: {  	_ =	shalt  }
0x69: {  	_ =	shalt  }
0x6a: {  	_ =	shalt  }
0x6b: {  	_ =	shalt  }
0x6c: {  	_ =	shalt  }
0x6d: {  	_ =	shalt  }
0x6e: {  	_ =	shalt  }
0x6f: {  	_ =	shalt  }
0x70: {  	_ =	shalt  }
0x71: {  	_ =	shalt  }
0x72: {  	_ =	shalt  }
0x73: {  	_ =	shalt  }
0x74: {  	_ =	shalt  }
0x75: {  	_ =	shalt  }
0x76: {  	_ =	shalt  }
0x77: {  	_ =	shalt  }
0x78: {  	_ =	shalt  }
0x79: {  	_ =	shalt  }
0x7a: {  	_ =	shalt  }
0x7b: {  	_ =	shalt  }
0x7c: {  	_ =	shalt  }
0x7d: {  	_ =	shalt  }
0x7e: {  	_ =	shalt  }
0x7f: {  	_ =	shalt  }
0x80: {  	_ =	shalt  }
0x81: {  	_ =	shalt  }
0x82: {  	_ =	shalt  }
0x83: {  	_ =	shalt  }
0x84: {  	_ =	shalt  }
0x85: {  	_ =	shalt  }
0x86: {  	_ =	shalt  }
0x87: {  	_ =	shalt  }
.Lfunc_end0:
.L_simem_size_0:
called_computation_lowered:
.L_overlay_start_0:
0x88: {  	s0 =	sld [smem:$0x3FD9]  }
0x89: {  	s1 =	sld [smem:$0x3FFE];
	_ =	sdelay $0x3  }
0x8a: {  	s0 =	sadd.s32 s1, s0  }
0x8b: {  	[smem:$0x3FC6] =	sst s0  }
0x8c: {  	_ = 	snop  }
0x8d: {  	s0 =	sld [smem:$0x3FD0];
	_ =	sdelay $0x2  }
0x8e: {  	s13 =	simm.s32 $0xA;
	s2 =	simm.s32 $0x10  }
0x8f: {  	[smem:s2], [sflag:s13] =	dma.local [hbm:s0], $0x1  }
0x90: {  	_ =	swait.eq [sflag:s13], $0x1  }
0x91: {  	[sflag:s13] =	ssyncset.done $0x0  }
0x92: {  	s14 =	sld [smem:$0x10];
	[sflag:s13] =	ssyncadd.s32 $0xFFFFFFFF  }
0x93: {  	s15 =	sld [smem:$0x11];
	(tm) =	ssettm $0x1  }
0x94: {  	s16 =	sld [smem:$0x3FFB];
	_ =	sdelay $0x3  }
0x95: {  	_ =	strace s16  }
0x96: {  	s2 =	sld [smem:$0x3FFC];
	_ =	sdelay $0x3  }
0x97: {  	_ =	strace s2  }
0x98: {  	s2 =	sld [smem:$0x3FFD];
	_ =	sdelay $0x3  }
0x99: {  	_ =	strace s2  }
0x9a: {  	_ =	strace $0x8FFFFFFF  }
0x9b: {  	s17 =	sld [smem:$0x3FDB];
	_ =	sdelay $0x1  }
0x9c: {  	s3 =	simm.s32 $_scs_section_size  }
0x9d: {  	s4 =	simm.s32 $_size__tile_overlayer_lowered;
	s5 =	simm.s32 $_tile_overlayer_lowered  }
0x9e: {  	s20 =	simm.s32 $0x1BFF;
	s19 =	sshll.u32 s5, $0x1;
	s2 =	sadd.s32 s3, s17  }
0x9f: {  	s6 =	simm.s32 $0x0;
	s18 =	sshll.u32 s4, $0x1;
	s4 =	sadd.s32 s19, s2  }
0xa0: {  	[timem:s6], [sflag:s20] =	dma.local [hbm:s4], s18  }
0xa1: {  	_ =	swait.ge [sflag:s20], s18  }
0xa2: {  	s3 =	ssub.s32 $0x0, s18;
	[sflag:s20] =	ssyncset.done $0x0  }
0xa3: {  	[sflag:s20] =	ssyncadd.s32 s3;
	_ =	sdelay $0x1  }
0xa4: {  	s21 =	simm.s32 $0x1B8B  }
0xa5: {  	_ =	swait.ge [sflag:s21], $0x1  }
0xa6: {  	[sflag:s21] =	ssyncset.done $0x0  }
0xa7: {  	s23 =	simm.s32 $0x1B8E;
	s22 =	sld [smem:$0x3FFE];
	[sflag:s21] =	ssyncadd.s32 $0xFFFFFFFF  }
0xa8: {  	s24 =	simm.s32 $execute0_lowered;
	[smem:$0x3FD2] =	sst s23  }
0xa9: {  	s4 =	sshll.u32 s24, $0x1;
	_ =	strace $0x80000046;
	[dreg:$0x1] =	wrdreg $0xFFFFFFFF  }
0xaa: {  	s25 =	simm.s32 $_size_execute0_lowered;
	s2 =	sadd.s32 s2, s4;
	[dreg:$0x0] =	wrdreg $0x0  }
0xab: {  	s4 =	sshll.u32 s25, $0x1;
	[dreg:$0x2] =	wrdreg s2  }
0xac: {  	[dreg:$0x3] =	wrdreg s4  }
0xad: {  	[dreg:$0x4] =	wrdreg $0xC0  }
0xae: {  	_ =	task [dreg:s6], $0x5FFFF  }
0xaf: {  	[dreg:$0x1] =	wrdreg $0xFFFFFFFF  }
0xb0: {  	[dreg:$0x0] =	wrdreg $0x60  }
0xb1: {  	[dreg:$0x2] =	wrdreg s22  }
0xb2: {  	[dreg:$0x3] =	wrdreg s15  }
0xb3: {  	[dreg:$0x4] =	wrdreg s14  }
0xb4: {  	[dreg:$0x5] =	wrdreg $0x9  }
0xb5: {  	_ =	task.clear_ibuf [dreg:s6], $0x6FFFF;
	_ =	strace $0x90000046  }
0xb6: {  	s26 =	simm.s32 $0x9;
	_ =	strace $0x80000048  }
0xb7: {  	_ =	swait.ge [sflag:s26], $0x1  }
0xb8: {  	[sflag:s26] =	ssyncadd.s32 $0xFFFFFFFF  }
0xb9: {  	_ =	strace $0x90000048  }
0xba: {  	_ =	sfence  }
0xbb: {  	s28 =	sld [smem:$0x0];
	_ =	sdelay $0x1  }
0xbc: {  	s29 =	srdreg.scid  }
0xbd: {  	s30 =	sshll.u32 s29, $0xD;
	s31 =	sshrl.u32 s29, $0x2  }
0xbe: {  	s1 =	sand.u32 $0x1, s29;
	s2 =	sand.u32 $0x4000, s30;
	s0 =	sadd.s32 s31, s28  }
0xbf: {  	s1 =	sor.u32 s2, s1;
	s0 =	sshll.u32 s0, $0x11  }
0xc0: {  	s0 =	sor.u32 s0, s1  }
0xc1: {  	s0 =	sadd.s32 $0x8F2B, s0  }
0xc2: {  	[sflag:s0] =	ssyncadd.remote.s32 $0x1  }
0xc3: {  	_ =	sfence.sel $0xFFFF  }
0xc4: {  	[dreg:$0x0] =	wrdreg $0xFFFFFFFF;
	(pc) =	sbr.abs _section_cstart, $3  }
0xc5: {  	[dreg:$0x1] =	wrdreg $0xFFFFFFFF  }
0xc6: {  	_ =	task.clear_ibuf [dreg:s6], $0x2FFFF;
	_ =	strace $0x9FFFFFFF  }
0xc7: {  	(tm) =	ssettm $0x7FFFFFFF  }
tec
execute0_lowered:
.L_overlay_start_1:
0x0: {  	(tag) =	ssettag $0x1  }
0x1: {  	s1 =	rddreg [dreg:$0x0]  }
0x2: {  	s2 =	rddreg [dreg:$0x1]  }
0x3: {  	s3 =	rddreg [dreg:$0x2]  }
0x4: {  	s0 =	rddreg [dreg:$0x3];
	_ =	strace $0x80000047;
	s4 =	stileid.u32  }
0x5: {  	s5 =	simm.s32 $0x3E;
	s1 =	sadd.s32 $0x400000, s1;
	p0 =	sne.s32 s4, $0x0  }
0x6: {  	[sflag:s5] =	ssyncpa.u1 $0x0;
	s6 =	simm.s32 @!p0 $0x1C3E;
	s7 =	simm.s32 @!p0 $0x0  }
0x7: {  	[spmem:s7], [sflag:s6] =	dma.local @!p0 [hbm:s1], $0x10  }
0x8: {  	s6 =	simm.s32 @!p0 $0x3E  }
0x9: {  	_ =	swait.ge @!p0 [sflag:s6], $0x10  }
0xa: {  	[sflag:s6] =	ssyncset.done @!p0 $0x0  }
0xb: {  	[sflag:s6] =	ssyncadd.s32 @!p0 $0xFFFFFFF0  }
0xc: {  	s20 =	simm.s32 $0x1;
	[bflag:$0x0] =	sbarrier.arrive $0xFFFF  }
0xd: {  	s21 =	simm.s32 $0x2;
	s8 =	simm.s32 $0x0;
	[sflag:s5] =	ssyncpa.u1 $0x1  }
0xe: {  	s9 =	simm.s32 $0x48;
	s4 =	sshll.u32 s4, $0x3;
	[sflag:s20] =	ssyncpa.u1 $0x0  }
0xf: {  	s2 =	sadd.s32 s2, s4;
	(ifvalue) =	ssetifvalue $0x80;
	[sflag:s21] =	ssyncpa.u1 $0x0  }
0x10: {  	[tilespmem:s9], [sflag:$0x2] =	stream.linear.gather [hbm4b:s2+s8], $0x40, $0x38;
	[tilespmem:$0x108] =	vst v63  }
0x11: {  	s23 =	simm.s32 $0xC8;
	s22 =	sadd.s32 s3, s4  }
0x12: {  	[tilespmem:s23], [sflag:$0x2] =	stream.linear.gather [hbm4b:s22+s8], $0x40, $0x38;
	[tilespmem:$0x108] =	vst v63  }
0x13: {  	_ =	swait.ge [sflag:s21], $0x80  }
0x14: {  	[sflag:s21] =	ssyncset.done $0x0  }
0x15: {  	[sflag:s21] =	ssyncadd.s32 $0xFFFFFF80  }
0x16: {  	v0 =	vld.msk [tilespmem:s9+$0x0 ss:$0x1], $0xffff;
	_ =	sdelay $0x4  }
0x17: {  	v0 =	vmin.u32 v0, $0x80;
	_ =	sdelay $0x3  }
0x18: {  	vm0 =	vmmov $0xffff;
	s24 =	simm.s32 $0x58  }
0x19: {  	[spmem:s8] =	stream.indirect_vreg.scatter.add.s32 [tilespmem:s23], [sflag:$0x1], $0x1, v0, vm0, $0x4038;
	[tilespmem:$0x108] =	vst v63  }
0x1a: {  	v0 =	vld.msk [tilespmem:s24+$0x0 ss:$0x1], $0xffff;
	_ =	sdelay $0x4  }
0x1b: {  	v0 =	vmin.u32 v0, $0x80;
	_ =	sdelay $0x3  }
0x1c: {  	s25 =	simm.s32 $0xD8;
	s26 =	simm.s32 $0x68  }
0x1d: {  	[spmem:s8] =	stream.indirect_vreg.scatter.add.s32 [tilespmem:s25], [sflag:$0x1], $0x1, v0, vm0, $0x4038;
	[tilespmem:$0x108] =	vst v63  }
0x1e: {  	v0 =	vld.msk [tilespmem:s26+$0x0 ss:$0x1], $0xffff;
	_ =	sdelay $0x4  }
0x1f: {  	v0 =	vmin.u32 v0, $0x80;
	_ =	sdelay $0x3  }
0x20: {  	s28 =	simm.s32 $0xE8;
	s29 =	simm.s32 $0x78  }
0x21: {  	[spmem:s8] =	stream.indirect_vreg.scatter.add.s32 [tilespmem:s28], [sflag:$0x1], $0x1, v0, vm0, $0x4038;
	[tilespmem:$0x108] =	vst v63  }
0x22: {  	v0 =	vld.msk [tilespmem:s29+$0x0 ss:$0x1], $0xffff;
	_ =	sdelay $0x4  }
0x23: {  	v0 =	vmin.u32 v0, $0x80;
	_ =	sdelay $0x3  }
0x24: {  	s30 =	simm.s32 $0xF8  }
0x25: {  	[spmem:s8] =	stream.indirect_vreg.scatter.add.s32 [tilespmem:s30], [sflag:$0x1], $0x1, v0, vm0, $0x4038;
	[tilespmem:$0x108] =	vst v63  }
0x26: {  	_ =	swait.ge [sflag:s20], $0x40  }
0x27: {  	[sflag:s20] =	ssyncset.done $0x0  }
0x28: {  	[sflag:s20] =	ssyncadd.s32 $0xFFFFFFC0  }
0x29: {  	_ =	sfence.sel $0x180000  }
0x2a: {  	[bflag:$0x0] =	sbarrier.arrive $0xFFFF  }
0x2b: {  	[sflag:s21] =	ssyncpa.u1 $0x1  }
0x2c: {  	[sflag:s20] =	ssyncpa.u1 $0x1  }
0x2d: {  	_ =	sfence.stream.spmem  }
0x2e: {  	s31 =	simm.s32 $0x3D;
	[bflag:$0x0] =	sbarrier.arrive $0xFFFF  }
0x2f: {  	s2 =	simm.s32 @p0 $0x3D;
	[sflag:s31] =	ssyncpa.u1 $0x0  }
0x30: {  	[sflag:s2] =	ssyncpa.u1 @p0 $0x1  }
0x31: {  	[bflag:$0x0] =	sbarrier.arrive @p0 $0xFFFF  }
0x32: {  	_ =	strace @p0 $0x90000047  }
0x33: {  	s2 =	simm.s32 @!p0 $0x1C3D;
	[bflag:$0x2] =	sbarrier.arrive @p0 $0xFFFF  }
0x34: {  	[hbm:s1], [sflag:s2] =	dma.local @!p0 [spmem:s7], $0x10  }
0x35: {  	s1 =	simm.s32 @!p0 $0x3D  }
0x36: {  	_ =	swait.ge @!p0 [sflag:s1], $0x10  }
0x37: {  	[sflag:s1] =	ssyncset.done @!p0 $0x0  }
0x38: {  	[sflag:s1] =	ssyncadd.s32 @!p0 $0xFFFFFFF0  }
0x39: {  	[sflag:s1] =	ssyncpa.u1 @!p0 $0x1  }
0x3a: {  	[bflag:$0x0] =	sbarrier.arrive @!p0 $0xFFFF  }
0x3b: {  	_ =	strace @!p0 $0x90000047  }
0x3c: {  	s0 =	sadd.s32 @!p0 $0x100000, s0;
	[bflag:$0x2] =	sbarrier.arrive @!p0 $0xFFFF  }
0x3d: {  	[sflag:s0] =	ssyncadd.tile.s32 @!p0 $0x1;
	_ =	shalt  }
.Lfunc_end2:
_tile_overlayer_lowered:
.L_overlay_start_2:
0x3e: {  	(tag) =	ssettag $0x2  }
0x3f: {  	s0 =	rddreg [dreg:$0x0];
	s2 =	stileid.u32  }
0x40: {  	s1 =	rddreg [dreg:$0x1];
	p0 =	sne.s32 s2, $0x0  }
0x41: {  	s3 =	rddreg [dreg:$0x2];
	[bflag:$0x3] =	sbarrier.arrive $0xFFFF;
	s2 =	simm.s32 @!p0 $0x1C01  }
0x42: {  	[timem:s3], [sflag:s2] =	dma.local @!p0 [hbm:s0], s1  }
0x43: {  	s0 =	simm.s32 @!p0 $0x1  }
0x44: {  	_ =	swait.ge @!p0 [sflag:s0], s1  }
0x45: {  	s1 =	ssub.s32 @!p0 $0x0, s1;
	[sflag:s0] =	ssyncset.done @!p0 $0x0  }
0x46: {  	[sflag:s0] =	ssyncadd.s32 @!p0 s1  }
0x47: {  	[bflag:$0x3] =	sbarrier.arrive $0xFFFF  }
0x48: {  	_ =	shalt  }

</sc_bundles>
